<compile_context>
chip_gen: v7x
topology: tpu7x:2x2x1
jax: 0.10.2.dev20260603
libtpu: 0.0.44.dev20260713+nightly
codegen_flags: <defaults>
</compile_context>

<pallas_src>
import jax
import jax.numpy as jnp
from jax import lax
from jax.experimental import pallas as pl
from jax.experimental.pallas import tpu as pltpu
from jax.experimental.pallas import tpu_sc as plsc

NC = 2
NS = 16
NW = NC * NS
L = 16

TABLE_PAD = 128
CHUNK = 16384
NBUF = 2


def _body(x_hbm, z_hbm, scale_hbm, shift_hbm, out_hbm,
          scale_v, shift_v, *bufs_flat):
    wid = lax.axis_index("s") * NC + lax.axis_index("c")
    n_chunks = x_hbm.shape[0] // (NW * CHUNK)
    base = wid * (n_chunks * CHUNK)

    pltpu.sync_copy(scale_hbm, scale_v)
    pltpu.sync_copy(shift_hbm, shift_v)

    xbs = bufs_flat[0:NBUF]
    zbs = bufs_flat[NBUF:2 * NBUF]
    obs = bufs_flat[2 * NBUF:3 * NBUF]
    isems = bufs_flat[3 * NBUF:4 * NBUF]
    osems = bufs_flat[4 * NBUF:5 * NBUF]
    bufs = tuple(zip(xbs, zbs, obs, isems, osems))

    def start_in(c, xb, zb, sem):
        off = base + c * CHUNK
        pltpu.async_copy(x_hbm.at[pl.ds(off, CHUNK)], xb, sem)
        pltpu.async_copy(z_hbm.at[pl.ds(off, CHUNK)], zb, sem)

    def wait_in(c, xb, zb, sem):
        off = base + c * CHUNK
        pltpu.make_async_copy(x_hbm.at[pl.ds(off, CHUNK)], xb, sem).wait()
        pltpu.make_async_copy(z_hbm.at[pl.ds(off, CHUNK)], zb, sem).wait()

    def start_out(c, ob, sem):
        off = base + c * CHUNK
        pltpu.async_copy(ob, out_hbm.at[pl.ds(off, CHUNK)], sem)

    def wait_out(c, ob, sem):
        off = base + c * CHUNK
        pltpu.make_async_copy(ob, out_hbm.at[pl.ds(off, CHUNK)], sem).wait()

    def compute(xb, zb, ob):
        @plsc.parallel_loop(0, CHUNK, L, unroll=8)
        def vec_body(i):
            sl = pl.ds(i, L)
            idx = zb[sl]
            s = plsc.load_gather(scale_v, [idx])
            t = plsc.load_gather(shift_v, [idx])
            ob[sl] = s * xb[sl] + t

    for b in range(NBUF):
        xb, zb, _, sem, _ = bufs[b]
        start_in(b, xb, zb, sem)

    def group_body(g, carry):
        for b in range(NBUF):
            xb, zb, ob, isem, osem = bufs[b]
            c = g * NBUF + b
            wait_in(c, xb, zb, isem)

            @pl.when(g > 0)
            def _():
                wait_out(c - NBUF, ob, osem)

            compute(xb, zb, ob)
            start_out(c, ob, osem)

            @pl.when(c + NBUF < n_chunks)
            def _():
                start_in(c + NBUF, xb, zb, isem)
        return carry

    lax.fori_loop(0, n_chunks // NBUF, group_body, 0)

    for b in range(NBUF):
        _, _, ob, _, osem = bufs[b]
        wait_out(n_chunks - NBUF + b, ob, osem)


def kernel(x, Z, scale_param, shift_param):
    n = x.shape[0]
    assert n % (NW * CHUNK * NBUF) == 0
    n_rows = scale_param.shape[0]
    scale_pad = jnp.zeros((TABLE_PAD,), jnp.float32).at[:n_rows].set(
        scale_param.astype(jnp.float32))
    shift_pad = jnp.zeros((TABLE_PAD,), jnp.float32).at[:n_rows].set(
        shift_param.astype(jnp.float32))

    mesh = plsc.VectorSubcoreMesh(core_axis_name="c", subcore_axis_name="s")
    run = pl.kernel(
        _body,
        out_type=jax.ShapeDtypeStruct((n,), jnp.float32),
        mesh=mesh,
        scratch_types=(
            [pltpu.VMEM((TABLE_PAD,), jnp.float32)] * 2
            + [pltpu.VMEM((CHUNK,), jnp.float32)] * NBUF
            + [pltpu.VMEM((CHUNK,), jnp.int32)] * NBUF
            + [pltpu.VMEM((CHUNK,), jnp.float32)] * NBUF
            + [pltpu.SemaphoreType.DMA] * (2 * NBUF)
        ),
        compiler_params=pltpu.CompilerParams(
            needs_layout_passes=False,
            disable_bounds_checks=True,
            skip_device_barrier=True,
        ),
    )
    return run(x.astype(jnp.float32), Z, scale_pad, shift_pad)

# --- scband reference (transcript-rebuilt; emitter-appended) ---
"""Pipeline reference for scband-per-element-scale-shift-t-31928786878735 (READ-ONLY COPY).

The authoritative reference and input builder live on the scoring server;
editing this copy changes nothing except your own understanding.
"""

import jax, jax.numpy as jnp
import numpy as np

N = 8388608
N_SPECIES = 119

def setup_inputs(seed: int = 0) -> dict:
    key = jax.random.key(seed)
    k1, k2 = jax.random.split(key)
    x = jax.random.normal(k1, (N,), dtype=jnp.float32)
    Z = jax.random.randint(k2, (N,), 0, N_SPECIES, dtype=jnp.int32)
    # parameters per init_kwargs: scale=1.0, shift=0.0 repeated over n_species
    scale_param = jnp.ones((N_SPECIES,), dtype=jnp.float32)
    shift_param = jnp.zeros((N_SPECIES,), dtype=jnp.float32)
    return {"x": x, "Z": Z, "scale_param": scale_param, "shift_param": shift_param}

def reference(x, Z, scale_param, shift_param):
    x = x.astype(jnp.float32)
    # gather per-species scale/shift and apply affine transform
    out = jnp.take(scale_param, Z, axis=0) * x + jnp.take(shift_param, Z, axis=0)
    return out

if __name__ == "__main__":
    import jax
    _d = setup_inputs()
    print(jax.jit(kernel)(*tuple(_d.values())))

</pallas_src>

<mosaic_0001>
#map = affine_map<(d0, d1) -> (0)>
module attributes {stable_mosaic.version = 14 : i64} {
  func.func @_body(%arg0: i32, %arg1: i32, %arg2: memref<8388608xf32, #tpu.memory_space<hbm>>, %arg3: memref<8388608xi32, #tpu.memory_space<hbm>>, %arg4: memref<128xf32, #tpu.memory_space<hbm>>, %arg5: memref<128xf32, #tpu.memory_space<hbm>>, %arg6: memref<8388608xf32, #tpu.memory_space<hbm>>, %arg7: memref<128xf32, #tpu.memory_space<vmem>>, %arg8: memref<128xf32, #tpu.memory_space<vmem>>, %arg9: memref<16384xf32, #tpu.memory_space<vmem>>, %arg10: memref<16384xf32, #tpu.memory_space<vmem>>, %arg11: memref<16384xi32, #tpu.memory_space<vmem>>, %arg12: memref<16384xi32, #tpu.memory_space<vmem>>, %arg13: memref<16384xf32, #tpu.memory_space<vmem>>, %arg14: memref<16384xf32, #tpu.memory_space<vmem>>, %arg15: memref<!tpu.dma_semaphore, #tpu.memory_space<semaphore_mem>>, %arg16: memref<!tpu.dma_semaphore, #tpu.memory_space<semaphore_mem>>, %arg17: memref<!tpu.dma_semaphore, #tpu.memory_space<semaphore_mem>>, %arg18: memref<!tpu.dma_semaphore, #tpu.memory_space<semaphore_mem>>) attributes {dimension_semantics = [#tpu.dimension_semantics<core_parallel>, #tpu.dimension_semantics<subcore_parallel>], iteration_bounds = array<i64: 2, 16>, scalar_prefetch = 0 : i64, scratch_operands = 12 : i64, tpu.core_type = #tpu.core_type<sc_vector_subcore>, window_params = [{transform_indices = #map}, {transform_indices = #map}, {transform_indices = #map}, {transform_indices = #map}, {transform_indices = #map}]} {
    %mul3A = arith.constant 2 : i32
    %mul3A_0 = arith.muli %arg1, %mul3A : i32
    %add3A = arith.addi %mul3A_0, %arg0 : i32
    %mul3A_1 = arith.constant 262144 : i32
    %mul3A_2 = arith.muli %add3A, %mul3A_1 : i32
    "tpu.region"() ({
      %run_scoped3A = tpu.sem_alloc : memref<!tpu.dma_semaphore, #tpu.memory_space<semaphore_mem>>
      tpu.enqueue_dma source(%arg4 : memref<128xf32, #tpu.memory_space<hbm>>) target(%arg7 : memref<128xf32, #tpu.memory_space<vmem>>) target_semaphore(%run_scoped3A : memref<!tpu.dma_semaphore, #tpu.memory_space<semaphore_mem>>)
      tpu.wait_dma2 semaphore(%run_scoped3A : memref<!tpu.dma_semaphore, #tpu.memory_space<semaphore_mem>>) src(%arg4 : memref<128xf32, #tpu.memory_space<hbm>>) dst(%arg7 : memref<128xf32, #tpu.memory_space<vmem>>)
      tpu.yield
    }) : () -> ()
    "tpu.region"() ({
      %run_scoped3A = tpu.sem_alloc : memref<!tpu.dma_semaphore, #tpu.memory_space<semaphore_mem>>
      tpu.enqueue_dma source(%arg5 : memref<128xf32, #tpu.memory_space<hbm>>) target(%arg8 : memref<128xf32, #tpu.memory_space<vmem>>) target_semaphore(%run_scoped3A : memref<!tpu.dma_semaphore, #tpu.memory_space<semaphore_mem>>)
      tpu.wait_dma2 semaphore(%run_scoped3A : memref<!tpu.dma_semaphore, #tpu.memory_space<semaphore_mem>>) src(%arg5 : memref<128xf32, #tpu.memory_space<hbm>>) dst(%arg8 : memref<128xf32, #tpu.memory_space<vmem>>)
      tpu.yield
    }) : () -> ()
    %add3A_3 = arith.constant 0 : i32
    %add3A_4 = arith.addi %mul3A_2, %add3A_3 : i32
    %dma_start3A = tpu.memref_slice %arg2[%add3A_4] : memref<8388608xf32, #tpu.memory_space<hbm>> -> memref<16384xf32, #tpu.memory_space<hbm>>
    %dma_start3A_5 = tpu.memref_slice %arg2[%add3A_4] : memref<8388608xf32, #tpu.memory_space<hbm>> -> memref<16384xf32, #tpu.memory_space<hbm>>
    tpu.enqueue_dma source(%dma_start3A_5 : memref<16384xf32, #tpu.memory_space<hbm>>) target(%arg9 : memref<16384xf32, #tpu.memory_space<vmem>>) target_semaphore(%arg15 : memref<!tpu.dma_semaphore, #tpu.memory_space<semaphore_mem>>)
    %dma_start3A_6 = tpu.memref_slice %arg3[%add3A_4] : memref<8388608xi32, #tpu.memory_space<hbm>> -> memref<16384xi32, #tpu.memory_space<hbm>>
    %dma_start3A_7 = tpu.memref_slice %arg3[%add3A_4] : memref<8388608xi32, #tpu.memory_space<hbm>> -> memref<16384xi32, #tpu.memory_space<hbm>>
    tpu.enqueue_dma source(%dma_start3A_7 : memref<16384xi32, #tpu.memory_space<hbm>>) target(%arg11 : memref<16384xi32, #tpu.memory_space<vmem>>) target_semaphore(%arg15 : memref<!tpu.dma_semaphore, #tpu.memory_space<semaphore_mem>>)
    %add3A_8 = arith.constant 16384 : i32
    %add3A_9 = arith.addi %mul3A_2, %add3A_8 : i32
    %dma_start3A_10 = tpu.memref_slice %arg2[%add3A_9] : memref<8388608xf32, #tpu.memory_space<hbm>> -> memref<16384xf32, #tpu.memory_space<hbm>>
    %dma_start3A_11 = tpu.memref_slice %arg2[%add3A_9] : memref<8388608xf32, #tpu.memory_space<hbm>> -> memref<16384xf32, #tpu.memory_space<hbm>>
    tpu.enqueue_dma source(%dma_start3A_11 : memref<16384xf32, #tpu.memory_space<hbm>>) target(%arg10 : memref<16384xf32, #tpu.memory_space<vmem>>) target_semaphore(%arg16 : memref<!tpu.dma_semaphore, #tpu.memory_space<semaphore_mem>>)
    %dma_start3A_12 = tpu.memref_slice %arg3[%add3A_9] : memref<8388608xi32, #tpu.memory_space<hbm>> -> memref<16384xi32, #tpu.memory_space<hbm>>
    %dma_start3A_13 = tpu.memref_slice %arg3[%add3A_9] : memref<8388608xi32, #tpu.memory_space<hbm>> -> memref<16384xi32, #tpu.memory_space<hbm>>
    tpu.enqueue_dma source(%dma_start3A_13 : memref<16384xi32, #tpu.memory_space<hbm>>) target(%arg12 : memref<16384xi32, #tpu.memory_space<vmem>>) target_semaphore(%arg16 : memref<!tpu.dma_semaphore, #tpu.memory_space<semaphore_mem>>)
    %scan3A = arith.constant 0 : i32
    %scan3A_14 = arith.constant 0 : i32
    %scan3A_15 = arith.constant 8 : i32
    %scan3A_16 = arith.addi %scan3A_14, %scan3A_15 : i32
    %scan3A_17 = arith.constant 1 : i32
    scf.for %scan3A_26 = %scan3A_14 to %scan3A_16 step %scan3A_17  : i32 {
      %mul3A_27 = arith.constant 2 : i32
      %mul3A_28 = arith.muli %scan3A_26, %mul3A_27 : i32
      %add3A_29 = arith.constant 0 : i32
      %add3A_30 = arith.addi %mul3A_28, %add3A_29 : i32
      %mul3A_31 = arith.constant 16384 : i32
      %mul3A_32 = arith.muli %add3A_30, %mul3A_31 : i32
      %add3A_33 = arith.addi %mul3A_2, %mul3A_32 : i32
      %dma_wait3A_34 = tpu.memref_slice %arg2[%add3A_33] : memref<8388608xf32, #tpu.memory_space<hbm>> -> memref<16384xf32, #tpu.memory_space<hbm>>
      %dma_wait3A_35 = tpu.memref_slice %arg2[%add3A_33] : memref<8388608xf32, #tpu.memory_space<hbm>> -> memref<16384xf32, #tpu.memory_space<hbm>>
      tpu.wait_dma2 semaphore(%arg15 : memref<!tpu.dma_semaphore, #tpu.memory_space<semaphore_mem>>) src(%dma_wait3A_35 : memref<16384xf32, #tpu.memory_space<hbm>>) dst(%arg9 : memref<16384xf32, #tpu.memory_space<vmem>>)
      %dma_wait3A_36 = tpu.memref_slice %arg3[%add3A_33] : memref<8388608xi32, #tpu.memory_space<hbm>> -> memref<16384xi32, #tpu.memory_space<hbm>>
      %dma_wait3A_37 = tpu.memref_slice %arg3[%add3A_33] : memref<8388608xi32, #tpu.memory_space<hbm>> -> memref<16384xi32, #tpu.memory_space<hbm>>
      tpu.wait_dma2 semaphore(%arg15 : memref<!tpu.dma_semaphore, #tpu.memory_space<semaphore_mem>>) src(%dma_wait3A_37 : memref<16384xi32, #tpu.memory_space<hbm>>) dst(%arg11 : memref<16384xi32, #tpu.memory_space<vmem>>)
      %gt3A = arith.constant 0 : i32
      %gt3A_38 = arith.cmpi sgt, %scan3A_26, %gt3A : i32
      %convert_element_type3A = arith.extui %gt3A_38 : i1 to i32
      %cond3A = arith.constant 0 : i32
      %cond3A_39 = arith.cmpi ne, %convert_element_type3A, %cond3A : i32
      scf.if %cond3A_39 {
        %sub3A = arith.constant 2 : i32
        %sub3A_84 = arith.subi %add3A_30, %sub3A : i32
        %mul3A_85 = arith.constant 16384 : i32
        %mul3A_86 = arith.muli %sub3A_84, %mul3A_85 : i32
        %add3A_87 = arith.addi %mul3A_2, %mul3A_86 : i32
        %dma_wait3A_88 = tpu.memref_slice %arg6[%add3A_87] : memref<8388608xf32, #tpu.memory_space<hbm>> -> memref<16384xf32, #tpu.memory_space<hbm>>
        %dma_wait3A_89 = tpu.memref_slice %arg6[%add3A_87] : memref<8388608xf32, #tpu.memory_space<hbm>> -> memref<16384xf32, #tpu.memory_space<hbm>>
        tpu.wait_dma2 semaphore(%arg17 : memref<!tpu.dma_semaphore, #tpu.memory_space<semaphore_mem>>) src(%arg13 : memref<16384xf32, #tpu.memory_space<vmem>>) dst(%dma_wait3A_89 : memref<16384xf32, #tpu.memory_space<hbm>>)
      } else {
      }
      %parallel_loop3A = arith.constant 0 : i32
      %parallel_loop3A_40 = arith.constant 16384 : i32
      %parallel_loop3A_41 = arith.constant 16 : i32
      scf.for %parallel_loop3A_84 = %parallel_loop3A to %parallel_loop3A_40 step %parallel_loop3A_41  : i32 {
        %parallel_loop3A_85 = arith.index_cast %parallel_loop3A_84 : i32 to index
        %parallel_loop3A_86 = tpu.vector_load %arg11[%parallel_loop3A_85] {strides = array<i32>} : memref<16384xi32, #tpu.memory_space<vmem>>, vector<16xi32>,
        %parallel_loop3A_87 = tpu.vector_load_idx %arg7[%parallel_loop3A_86] : memref<128xf32, #tpu.memory_space<vmem>>[vector<16xi32>], vector<16xf32>,
        %parallel_loop3A_88 = tpu.vector_load_idx %arg8[%parallel_loop3A_86] : memref<128xf32, #tpu.memory_space<vmem>>[vector<16xi32>], vector<16xf32>,
        %parallel_loop3A_89 = arith.index_cast %parallel_loop3A_84 : i32 to index
        %parallel_loop3A_90 = tpu.vector_load %arg9[%parallel_loop3A_89] {strides = array<i32>} : memref<16384xf32, #tpu.memory_space<vmem>>, vector<16xf32>,
        %parallel_loop3A_91 = arith.mulf %parallel_loop3A_87, %parallel_loop3A_90 : vector<16xf32>
        %parallel_loop3A_92 = arith.addf %parallel_loop3A_91, %parallel_loop3A_88 : vector<16xf32>
        %parallel_loop3A_93 = arith.index_cast %parallel_loop3A_84 : i32 to index
        %parallel_loop3A_94 = tpu.vector_load %arg13[%parallel_loop3A_93] {strides = array<i32>} : memref<16384xf32, #tpu.memory_space<vmem>>, vector<16xf32>,
        tpu.vector_store %arg13[%parallel_loop3A_93], %parallel_loop3A_92 {strides = array<i32>} : memref<16384xf32, #tpu.memory_space<vmem>>, vector<16xf32>,
      } {sc.loop_unroll_factor = 8 : i64, sc.parallel_access}
      %mul3A_42 = arith.constant 16384 : i32
      %mul3A_43 = arith.muli %add3A_30, %mul3A_42 : i32
      %add3A_44 = arith.addi %mul3A_2, %mul3A_43 : i32
      %dma_start3A_45 = tpu.memref_slice %arg6[%add3A_44] : memref<8388608xf32, #tpu.memory_space<hbm>> -> memref<16384xf32, #tpu.memory_space<hbm>>
      %dma_start3A_46 = tpu.memref_slice %arg6[%add3A_44] : memref<8388608xf32, #tpu.memory_space<hbm>> -> memref<16384xf32, #tpu.memory_space<hbm>>
      tpu.enqueue_dma source(%arg13 : memref<16384xf32, #tpu.memory_space<vmem>>) target(%dma_start3A_46 : memref<16384xf32, #tpu.memory_space<hbm>>) target_semaphore(%arg17 : memref<!tpu.dma_semaphore, #tpu.memory_space<semaphore_mem>>)
      %add3A_47 = arith.constant 2 : i32
      %add3A_48 = arith.addi %add3A_30, %add3A_47 : i32
      %lt3A = arith.constant 16 : i32
      %lt3A_49 = arith.cmpi slt, %add3A_48, %lt3A : i32
      %convert_element_type3A_50 = arith.extui %lt3A_49 : i1 to i32
      %cond3A_51 = arith.constant 0 : i32
      %cond3A_52 = arith.cmpi ne, %convert_element_type3A_50, %cond3A_51 : i32
      scf.if %cond3A_52 {
        %add3A_84 = arith.constant 2 : i32
        %add3A_85 = arith.addi %add3A_30, %add3A_84 : i32
        %mul3A_86 = arith.constant 16384 : i32
        %mul3A_87 = arith.muli %add3A_85, %mul3A_86 : i32
        %add3A_88 = arith.addi %mul3A_2, %mul3A_87 : i32
        %dma_start3A_89 = tpu.memref_slice %arg2[%add3A_88] : memref<8388608xf32, #tpu.memory_space<hbm>> -> memref<16384xf32, #tpu.memory_space<hbm>>
        %dma_start3A_90 = tpu.memref_slice %arg2[%add3A_88] : memref<8388608xf32, #tpu.memory_space<hbm>> -> memref<16384xf32, #tpu.memory_space<hbm>>
        tpu.enqueue_dma source(%dma_start3A_90 : memref<16384xf32, #tpu.memory_space<hbm>>) target(%arg9 : memref<16384xf32, #tpu.memory_space<vmem>>) target_semaphore(%arg15 : memref<!tpu.dma_semaphore, #tpu.memory_space<semaphore_mem>>)
        %dma_start3A_91 = tpu.memref_slice %arg3[%add3A_88] : memref<8388608xi32, #tpu.memory_space<hbm>> -> memref<16384xi32, #tpu.memory_space<hbm>>
        %dma_start3A_92 = tpu.memref_slice %arg3[%add3A_88] : memref<8388608xi32, #tpu.memory_space<hbm>> -> memref<16384xi32, #tpu.memory_space<hbm>>
        tpu.enqueue_dma source(%dma_start3A_92 : memref<16384xi32, #tpu.memory_space<hbm>>) target(%arg11 : memref<16384xi32, #tpu.memory_space<vmem>>) target_semaphore(%arg15 : memref<!tpu.dma_semaphore, #tpu.memory_space<semaphore_mem>>)
      } else {
      }
      %mul3A_53 = arith.constant 2 : i32
      %mul3A_54 = arith.muli %scan3A_26, %mul3A_53 : i32
      %add3A_55 = arith.constant 1 : i32
      %add3A_56 = arith.addi %mul3A_54, %add3A_55 : i32
      %mul3A_57 = arith.constant 16384 : i32
      %mul3A_58 = arith.muli %add3A_56, %mul3A_57 : i32
      %add3A_59 = arith.addi %mul3A_2, %mul3A_58 : i32
      %dma_wait3A_60 = tpu.memref_slice %arg2[%add3A_59] : memref<8388608xf32, #tpu.memory_space<hbm>> -> memref<16384xf32, #tpu.memory_space<hbm>>
      %dma_wait3A_61 = tpu.memref_slice %arg2[%add3A_59] : memref<8388608xf32, #tpu.memory_space<hbm>> -> memref<16384xf32, #tpu.memory_space<hbm>>
      tpu.wait_dma2 semaphore(%arg16 : memref<!tpu.dma_semaphore, #tpu.memory_space<semaphore_mem>>) src(%dma_wait3A_61 : memref<16384xf32, #tpu.memory_space<hbm>>) dst(%arg10 : memref<16384xf32, #tpu.memory_space<vmem>>)
      %dma_wait3A_62 = tpu.memref_slice %arg3[%add3A_59] : memref<8388608xi32, #tpu.memory_space<hbm>> -> memref<16384xi32, #tpu.memory_space<hbm>>
      %dma_wait3A_63 = tpu.memref_slice %arg3[%add3A_59] : memref<8388608xi32, #tpu.memory_space<hbm>> -> memref<16384xi32, #tpu.memory_space<hbm>>
      tpu.wait_dma2 semaphore(%arg16 : memref<!tpu.dma_semaphore, #tpu.memory_space<semaphore_mem>>) src(%dma_wait3A_63 : memref<16384xi32, #tpu.memory_space<hbm>>) dst(%arg12 : memref<16384xi32, #tpu.memory_space<vmem>>)
      %gt3A_64 = arith.constant 0 : i32
      %gt3A_65 = arith.cmpi sgt, %scan3A_26, %gt3A_64 : i32
      %convert_element_type3A_66 = arith.extui %gt3A_65 : i1 to i32
      %cond3A_67 = arith.constant 0 : i32
      %cond3A_68 = arith.cmpi ne, %convert_element_type3A_66, %cond3A_67 : i32
      scf.if %cond3A_68 {
        %sub3A = arith.constant 2 : i32
        %sub3A_84 = arith.subi %add3A_56, %sub3A : i32
        %mul3A_85 = arith.constant 16384 : i32
        %mul3A_86 = arith.muli %sub3A_84, %mul3A_85 : i32
        %add3A_87 = arith.addi %mul3A_2, %mul3A_86 : i32
        %dma_wait3A_88 = tpu.memref_slice %arg6[%add3A_87] : memref<8388608xf32, #tpu.memory_space<hbm>> -> memref<16384xf32, #tpu.memory_space<hbm>>
        %dma_wait3A_89 = tpu.memref_slice %arg6[%add3A_87] : memref<8388608xf32, #tpu.memory_space<hbm>> -> memref<16384xf32, #tpu.memory_space<hbm>>
        tpu.wait_dma2 semaphore(%arg18 : memref<!tpu.dma_semaphore, #tpu.memory_space<semaphore_mem>>) src(%arg14 : memref<16384xf32, #tpu.memory_space<vmem>>) dst(%dma_wait3A_89 : memref<16384xf32, #tpu.memory_space<hbm>>)
      } else {
      }
      %parallel_loop3A_69 = arith.constant 0 : i32
      %parallel_loop3A_70 = arith.constant 16384 : i32
      %parallel_loop3A_71 = arith.constant 16 : i32
      scf.for %parallel_loop3A_84 = %parallel_loop3A_69 to %parallel_loop3A_70 step %parallel_loop3A_71  : i32 {
        %parallel_loop3A_85 = arith.index_cast %parallel_loop3A_84 : i32 to index
        %parallel_loop3A_86 = tpu.vector_load %arg12[%parallel_loop3A_85] {strides = array<i32>} : memref<16384xi32, #tpu.memory_space<vmem>>, vector<16xi32>,
        %parallel_loop3A_87 = tpu.vector_load_idx %arg7[%parallel_loop3A_86] : memref<128xf32, #tpu.memory_space<vmem>>[vector<16xi32>], vector<16xf32>,
        %parallel_loop3A_88 = tpu.vector_load_idx %arg8[%parallel_loop3A_86] : memref<128xf32, #tpu.memory_space<vmem>>[vector<16xi32>], vector<16xf32>,
        %parallel_loop3A_89 = arith.index_cast %parallel_loop3A_84 : i32 to index
        %parallel_loop3A_90 = tpu.vector_load %arg10[%parallel_loop3A_89] {strides = array<i32>} : memref<16384xf32, #tpu.memory_space<vmem>>, vector<16xf32>,
        %parallel_loop3A_91 = arith.mulf %parallel_loop3A_87, %parallel_loop3A_90 : vector<16xf32>
        %parallel_loop3A_92 = arith.addf %parallel_loop3A_91, %parallel_loop3A_88 : vector<16xf32>
        %parallel_loop3A_93 = arith.index_cast %parallel_loop3A_84 : i32 to index
        %parallel_loop3A_94 = tpu.vector_load %arg14[%parallel_loop3A_93] {strides = array<i32>} : memref<16384xf32, #tpu.memory_space<vmem>>, vector<16xf32>,
        tpu.vector_store %arg14[%parallel_loop3A_93], %parallel_loop3A_92 {strides = array<i32>} : memref<16384xf32, #tpu.memory_space<vmem>>, vector<16xf32>,
      } {sc.loop_unroll_factor = 8 : i64, sc.parallel_access}
      %mul3A_72 = arith.constant 16384 : i32
      %mul3A_73 = arith.muli %add3A_56, %mul3A_72 : i32
      %add3A_74 = arith.addi %mul3A_2, %mul3A_73 : i32
      %dma_start3A_75 = tpu.memref_slice %arg6[%add3A_74] : memref<8388608xf32, #tpu.memory_space<hbm>> -> memref<16384xf32, #tpu.memory_space<hbm>>
      %dma_start3A_76 = tpu.memref_slice %arg6[%add3A_74] : memref<8388608xf32, #tpu.memory_space<hbm>> -> memref<16384xf32, #tpu.memory_space<hbm>>
      tpu.enqueue_dma source(%arg14 : memref<16384xf32, #tpu.memory_space<vmem>>) target(%dma_start3A_76 : memref<16384xf32, #tpu.memory_space<hbm>>) target_semaphore(%arg18 : memref<!tpu.dma_semaphore, #tpu.memory_space<semaphore_mem>>)
      %add3A_77 = arith.constant 2 : i32
      %add3A_78 = arith.addi %add3A_56, %add3A_77 : i32
      %lt3A_79 = arith.constant 16 : i32
      %lt3A_80 = arith.cmpi slt, %add3A_78, %lt3A_79 : i32
      %convert_element_type3A_81 = arith.extui %lt3A_80 : i1 to i32
      %cond3A_82 = arith.constant 0 : i32
      %cond3A_83 = arith.cmpi ne, %convert_element_type3A_81, %cond3A_82 : i32
      scf.if %cond3A_83 {
        %add3A_84 = arith.constant 2 : i32
        %add3A_85 = arith.addi %add3A_56, %add3A_84 : i32
        %mul3A_86 = arith.constant 16384 : i32
        %mul3A_87 = arith.muli %add3A_85, %mul3A_86 : i32
        %add3A_88 = arith.addi %mul3A_2, %mul3A_87 : i32
        %dma_start3A_89 = tpu.memref_slice %arg2[%add3A_88] : memref<8388608xf32, #tpu.memory_space<hbm>> -> memref<16384xf32, #tpu.memory_space<hbm>>
        %dma_start3A_90 = tpu.memref_slice %arg2[%add3A_88] : memref<8388608xf32, #tpu.memory_space<hbm>> -> memref<16384xf32, #tpu.memory_space<hbm>>
        tpu.enqueue_dma source(%dma_start3A_90 : memref<16384xf32, #tpu.memory_space<hbm>>) target(%arg10 : memref<16384xf32, #tpu.memory_space<vmem>>) target_semaphore(%arg16 : memref<!tpu.dma_semaphore, #tpu.memory_space<semaphore_mem>>)
        %dma_start3A_91 = tpu.memref_slice %arg3[%add3A_88] : memref<8388608xi32, #tpu.memory_space<hbm>> -> memref<16384xi32, #tpu.memory_space<hbm>>
        %dma_start3A_92 = tpu.memref_slice %arg3[%add3A_88] : memref<8388608xi32, #tpu.memory_space<hbm>> -> memref<16384xi32, #tpu.memory_space<hbm>>
        tpu.enqueue_dma source(%dma_start3A_92 : memref<16384xi32, #tpu.memory_space<hbm>>) target(%arg12 : memref<16384xi32, #tpu.memory_space<vmem>>) target_semaphore(%arg16 : memref<!tpu.dma_semaphore, #tpu.memory_space<semaphore_mem>>)
      } else {
      }
    }
    %scan3A_18 = arith.constant 8 : i32
    %add3A_19 = arith.constant 229376 : i32
    %add3A_20 = arith.addi %mul3A_2, %add3A_19 : i32
    %dma_wait3A = tpu.memref_slice %arg6[%add3A_20] : memref<8388608xf32, #tpu.memory_space<hbm>> -> memref<16384xf32, #tpu.memory_space<hbm>>
    %dma_wait3A_21 = tpu.memref_slice %arg6[%add3A_20] : memref<8388608xf32, #tpu.memory_space<hbm>> -> memref<16384xf32, #tpu.memory_space<hbm>>
    tpu.wait_dma2 semaphore(%arg17 : memref<!tpu.dma_semaphore, #tpu.memory_space<semaphore_mem>>) src(%arg13 : memref<16384xf32, #tpu.memory_space<vmem>>) dst(%dma_wait3A_21 : memref<16384xf32, #tpu.memory_space<hbm>>)
    %add3A_22 = arith.constant 245760 : i32
    %add3A_23 = arith.addi %mul3A_2, %add3A_22 : i32
    %dma_wait3A_24 = tpu.memref_slice %arg6[%add3A_23] : memref<8388608xf32, #tpu.memory_space<hbm>> -> memref<16384xf32, #tpu.memory_space<hbm>>
    %dma_wait3A_25 = tpu.memref_slice %arg6[%add3A_23] : memref<8388608xf32, #tpu.memory_space<hbm>> -> memref<16384xf32, #tpu.memory_space<hbm>>
    tpu.wait_dma2 semaphore(%arg18 : memref<!tpu.dma_semaphore, #tpu.memory_space<semaphore_mem>>) src(%arg14 : memref<16384xf32, #tpu.memory_space<vmem>>) dst(%dma_wait3A_25 : memref<16384xf32, #tpu.memory_space<hbm>>)
    return
  }
}

</mosaic_0001>

<sc_bundles>
// kernel: kernel.3.cloned.1.call-start
scs
__scs_entry_jumppad:
0x0: {  	(pc) =	sbr.rel $0x88, $3  }
0x1: {  	(tag) =	ssettag $0x0;
	lr =	simm.s32 $0x1  }
0x2: {  	[smem:$0x3F9D] =	sst lr;
	_ =	strace $0xD0000000  }
0x3: {  	_ = 	snop  }
0x4: {  	_ = 	snop  }
0x5: {  	_ = 	snop  }
0x6: {  	_ = 	snop  }
0x7: {  	_ = 	snop  }
__scs_overlays_trampoline_lowered:
0x8: {  	[smem:$0x3FAC] =	sst s0  }
0x9: {  	[smem:$0x3FAD] =	sst s1  }
0xa: {  	[smem:$0x3FAE] =	sst s2  }
0xb: {  	[smem:$0x3FAF] =	sst s3  }
0xc: {  	[smem:$0x3FB0] =	sst s4  }
0xd: {  	[smem:$0x3FB1] =	sst s5  }
0xe: {  	[smem:$0x3FB2] =	sst s6  }
0xf: {  	[smem:$0x3FB3] =	sst s7  }
0x10: {  	[smem:$0x3FB4] =	sst s8  }
0x11: {  	[smem:$0x3FB5] =	sst s9;
	s0 =	simm.s32 @!p0 $0x0  }
0x12: {  	s1 =	sld [smem:$0x3F9B];
	s0 =	simm.s32 @p0 $0x1  }
0x13: {  	[smem:$0x3FB6] =	sst s0;
	s0 =	simm.s32 @!p1 $0x0  }
0x14: {  	s2 =	sld [smem:$0x3F9A];
	s0 =	simm.s32 @p1 $0x1  }
0x15: {  	[smem:$0x3FB7] =	sst s0;
	s0 =	simm.s32 @!p2 $0x0  }
0x16: {  	s3 =	sld [smem:$0x3FDB];
	s0 =	simm.s32 @p2 $0x1  }
0x17: {  	s4 =	simm.s32 $0x1BF5;
	[smem:$0x3FB9] =	sst s0  }
0x18: {  	s0 =	sld [smem:$0x3F9C];
	_ =	swait.ge [sflag:s4], $0x0  }
0x19: {  	s7 =	sld [smem:$0x3F9D]  }
0x1a: {  	s8 =	sadd.s32 $0xFFFFE003, lr  }
0x1b: {  	s9 =	sadd.s32 $0xFFFFFEF7, lr;
	s5 =	simm.s32 $0xFFFFFFFF;
	p2 =	slt.u32 s8, $0xFFFFF086  }
0x1c: {  	p1 =	slt.u32 s9, $0xF7A;
	s5 =	simm.s32 @!p2 $0x0  }
0x1d: {  	s5 =	simm.s32 @p1 $0x1;
	p0 =	seq.s32 s7, s2  }
0x1e: {  	s7 =	smul.u32 @!p0 $0xF7A, s2;
	p2 =	seq.s32 @!p0 s5, $0x0  }
0x1f: {  	s9 =	smul.u32 $0xF7A, s1;
	s8 =	simm.s32 @!p0 $0x1BF5;
	p2 =	por !p2, p0  }
0x20: {  	[sflag:s8] =	ssyncset.s32 @!p0 $0xFFFFF086;
	s6 =	sadd.s32 @!p0 s3, s7;
	s7 =	simm.s32 @!p0 $0x108  }
0x21: {  	s3 =	sadd.s32 s3, s9;
	s6 =	sadd.s32 @!p0 $0x88, s6;
	s7 =	simm.s32 @p2 $0x1082  }
0x22: {  	[simem:s7], [sflag:s8] =	dma.local @!p0 [hbm:s6], $0xF7A  }
0x23: {  	s9 =	sor.u32 $0xD0000000, s2;
	s6 =	simm.s32 $0x108;
	_ =	swait.ge @!p0 [sflag:s8], $0x0  }
0x24: {  	s3 =	sadd.s32 $0x88, s3;
	s6 =	simm.s32 @!p1 $0x1082;
	[sflag:s4] =	ssyncset.s32 $0xFFFFF086  }
0x25: {  	[simem:s6], [sflag:s4] =	dma.local [hbm:s3], $0xF7A  }
0x26: {  	[smem:$0x3F9D] =	sst s1;
	(tag) =	ssettag s2;
	_ =	strace s9  }
0x27: {  	s1 =	sld [smem:$0x3FAD]  }
0x28: {  	s2 =	sld [smem:$0x3FAE]  }
0x29: {  	s4 =	sld [smem:$0x3FB0]  }
0x2a: {  	p0 =	seq.s32 s5, $0x0;
	s5 =	sld [smem:$0x3FB1]  }
0x2b: {  	s6 =	sld [smem:$0x3FB2]  }
0x2c: {  	s7 =	sld [smem:$0x3FB3]  }
0x2d: {  	s3 =	simm.s32 $0x108;
	s8 =	sld [smem:$0x3FB4]  }
0x2e: {  	s3 =	simm.s32 @!p0 $0x1082;
	s9 =	sld [smem:$0x3FB5]  }
0x2f: {  	lr =	sadd.s32 s0, s3;
	s0 =	sld [smem:$0x3FAC]  }
0x30: {  	s3 =	sld [smem:$0x3FAF]  }
0x31: {  	[smem:$0x3FB8] =	sst s10  }
0x32: {  	s10 =	sld [smem:$0x3FB6];
	_ =	sdelay $0x3  }
0x33: {  	p0 =	seq.s32 s10, $0x1;
	s10 =	sld [smem:$0x3FB8];
	_ =	sdelay $0x3  }
0x34: {  	[smem:$0x3FB8] =	sst s10  }
0x35: {  	s10 =	sld [smem:$0x3FB7];
	_ =	sdelay $0x3  }
0x36: {  	p1 =	seq.s32 s10, $0x1;
	s10 =	sld [smem:$0x3FB8];
	_ =	sdelay $0x3  }
0x37: {  	[smem:$0x3FB8] =	sst s10  }
0x38: {  	s10 =	sld [smem:$0x3FB9]  }
0x39: {  	_ = 	snop;
	(pc) =	sbr.ind lr, $3  }
0x3a: {  	_ = 	snop  }
0x3b: {  	_ = 	snop  }
0x3c: {  	p2 =	seq.s32 s10, $0x1;
	s10 =	sld [smem:$0x3FB8]  }
0x3d: {  	_ =	shalt  }
0x3e: {  	_ =	shalt  }
0x3f: {  	_ =	shalt  }
0x40: {  	_ =	shalt  }
0x41: {  	_ =	shalt  }
0x42: {  	_ =	shalt  }
0x43: {  	_ =	shalt  }
0x44: {  	_ =	shalt  }
0x45: {  	_ =	shalt  }
0x46: {  	_ =	shalt  }
0x47: {  	_ =	shalt  }
0x48: {  	_ =	shalt  }
0x49: {  	_ =	shalt  }
0x4a: {  	_ =	shalt  }
0x4b: {  	_ =	shalt  }
0x4c: {  	_ =	shalt  }
0x4d: {  	_ =	shalt  }
0x4e: {  	_ =	shalt  }
0x4f: {  	_ =	shalt  }
0x50: {  	_ =	shalt  }
0x51: {  	_ =	shalt  }
0x52: {  	_ =	shalt  }
0x53: {  	_ =	shalt  }
0x54: {  	_ =	shalt  }
0x55: {  	_ =	shalt  }
0x56: {  	_ =	shalt  }
0x57: {  	_ =	shalt  }
0x58: {  	_ =	shalt  }
0x59: {  	_ =	shalt  }
0x5a: {  	_ =	shalt  }
0x5b: {  	_ =	shalt  }
0x5c: {  	_ =	shalt  }
0x5d: {  	_ =	shalt  }
0x5e: {  	_ =	shalt  }
0x5f: {  	_ =	shalt  }
0x60: {  	_ =	shalt  }
0x61: {  	_ =	shalt  }
0x62: {  	_ =	shalt  }
0x63: {  	_ =	shalt  }
0x64: {  	_ =	shalt  }
0x65: {  	_ =	shalt  }
0x66: {  	_ =	shalt  }
0x67: {  	_ =	shalt  }
0x68: {  	_ =	shalt  }
0x69: {  	_ =	shalt  }
0x6a: {  	_ =	shalt  }
0x6b: {  	_ =	shalt  }
0x6c: {  	_ =	shalt  }
0x6d: {  	_ =	shalt  }
0x6e: {  	_ =	shalt  }
0x6f: {  	_ =	shalt  }
0x70: {  	_ =	shalt  }
0x71: {  	_ =	shalt  }
0x72: {  	_ =	shalt  }
0x73: {  	_ =	shalt  }
0x74: {  	_ =	shalt  }
0x75: {  	_ =	shalt  }
0x76: {  	_ =	shalt  }
0x77: {  	_ =	shalt  }
0x78: {  	_ =	shalt  }
0x79: {  	_ =	shalt  }
0x7a: {  	_ =	shalt  }
0x7b: {  	_ =	shalt  }
0x7c: {  	_ =	shalt  }
0x7d: {  	_ =	shalt  }
0x7e: {  	_ =	shalt  }
0x7f: {  	_ =	shalt  }
0x80: {  	_ =	shalt  }
0x81: {  	_ =	shalt  }
0x82: {  	_ =	shalt  }
0x83: {  	_ =	shalt  }
0x84: {  	_ =	shalt  }
0x85: {  	_ =	shalt  }
0x86: {  	_ =	shalt  }
0x87: {  	_ =	shalt  }
.Lfunc_end0:
.L_simem_size_0:
called_computation_lowered:
.L_overlay_start_0:
0x88: {  	s2 =	sld [smem:$0x3FD9]  }
0x89: {  	s3 =	sld [smem:$0x3FFE];
	_ =	sdelay $0x1  }
0x8a: {  	s1 =	srdreg.scid  }
0x8b: {  	s0 =	sand.u32 $0x1, s1  }
0x8c: {  	s17 =	sshll.u32 s0, $0xA;
	s2 =	sadd.s32 s3, s2  }
0x8d: {  	s2 =	sadd.s32 s2, s17  }
0x8e: {  	[smem:$0x3FC4] =	sst s2  }
0x8f: {  	_ = 	snop  }
0x90: {  	s2 =	sld [smem:$0x3FC9]  }
0x91: {  	s18 =	sld [smem:$0x3FC8]  }
0x92: {  	s4 =	sld [smem:$0x3FD0];
	(tm) =	ssettm $0x1  }
0x93: {  	s5 =	sld [smem:$0x3FFB];
	_ =	sdelay $0x3  }
0x94: {  	_ =	strace s5  }
0x95: {  	s5 =	sld [smem:$0x3FFC];
	_ =	sdelay $0x3  }
0x96: {  	_ =	strace s5  }
0x97: {  	s5 =	sld [smem:$0x3FFD];
	_ =	sdelay $0x3  }
0x98: {  	_ =	strace s5  }
0x99: {  	_ =	strace $0x8FFFFFFF  }
0x9a: {  	s19 =	sld [smem:$0x3FDB];
	_ =	sdelay $0x1  }
0x9b: {  	s6 =	simm.s32 $_scs_section_size  }
0x9c: {  	s7 =	simm.s32 $_size__tile_overlayer_lowered;
	s8 =	simm.s32 $_tile_overlayer_lowered  }
0x9d: {  	s22 =	simm.s32 $0x1BFF;
	s21 =	sshll.u32 s8, $0x1;
	s5 =	sadd.s32 s6, s19  }
0x9e: {  	s9 =	simm.s32 $0x0;
	s20 =	sshll.u32 s7, $0x1;
	s7 =	sadd.s32 s21, s5  }
0x9f: {  	[timem:s9], [sflag:s22] =	dma.local [hbm:s7], s20  }
0xa0: {  	_ =	swait.ge [sflag:s22], s20  }
0xa1: {  	s6 =	ssub.s32 $0x0, s20;
	[sflag:s22] =	ssyncset.done $0x0  }
0xa2: {  	[sflag:s22] =	ssyncadd.s32 s6;
	_ =	sdelay $0x1  }
0xa3: {  	s23 =	simm.s32 $0x1B8B  }
0xa4: {  	_ =	swait.ge [sflag:s23], $0x1  }
0xa5: {  	[sflag:s23] =	ssyncset.done $0x0  }
0xa6: {  	s25 =	simm.s32 $0x1B8E;
	s24 =	sld [smem:$0x3FFE];
	[sflag:s23] =	ssyncadd.s32 $0xFFFFFFFF  }
0xa7: {  	s26 =	simm.s32 $execute0_lowered;
	[smem:$0x3FD2] =	sst s25  }
0xa8: {  	s7 =	sshll.u32 s26, $0x1;
	_ =	strace $0x80000046;
	[dreg:$0x1] =	wrdreg $0xFFFFFFFF  }
0xa9: {  	s28 =	simm.s32 $_size_execute0_lowered;
	s5 =	sadd.s32 s5, s7;
	[dreg:$0x0] =	wrdreg $0x0  }
0xaa: {  	s7 =	sshll.u32 s28, $0x1;
	[dreg:$0x2] =	wrdreg s5  }
0xab: {  	[dreg:$0x3] =	wrdreg s7  }
0xac: {  	[dreg:$0x4] =	wrdreg $0xC0  }
0xad: {  	_ =	task [dreg:s9], $0x5FFFF  }
0xae: {  	[dreg:$0x1] =	wrdreg $0xFFFFFFFF  }
0xaf: {  	[dreg:$0x0] =	wrdreg $0x60  }
0xb0: {  	[dreg:$0x2] =	wrdreg s2  }
0xb1: {  	[dreg:$0x3] =	wrdreg s18  }
0xb2: {  	[dreg:$0x4] =	wrdreg s24  }
0xb3: {  	[dreg:$0x5] =	wrdreg s4  }
0xb4: {  	[dreg:$0x6] =	wrdreg $0x9  }
0xb5: {  	_ =	task.clear_ibuf [dreg:s9], $0x7FFFF;
	_ =	strace $0x90000046  }
0xb6: {  	s29 =	simm.s32 $0x9;
	_ =	strace $0x80000048  }
0xb7: {  	_ =	swait.ge [sflag:s29], $0x1  }
0xb8: {  	[sflag:s29] =	ssyncadd.s32 $0xFFFFFFFF  }
0xb9: {  	_ =	strace $0x90000048  }
0xba: {  	_ =	sfence  }
0xbb: {  	s30 =	sld [smem:$0x0];
	_ =	sdelay $0x2  }
0xbc: {  	s31 =	sshll.u32 s1, $0xD;
	s1 =	sshrl.u32 s1, $0x2  }
0xbd: {  	s3 =	sand.u32 $0x4000, s31;
	s1 =	sadd.s32 s1, s30  }
0xbe: {  	s0 =	sor.u32 s3, s0;
	s1 =	sshll.u32 s1, $0x11  }
0xbf: {  	s0 =	sor.u32 s1, s0  }
0xc0: {  	s0 =	sadd.s32 $0x8F2B, s0  }
0xc1: {  	[sflag:s0] =	ssyncadd.remote.s32 $0x1  }
0xc2: {  	_ =	sfence.sel $0xFFFF  }
0xc3: {  	[dreg:$0x0] =	wrdreg $0xFFFFFFFF;
	(pc) =	sbr.abs _section_cstart, $3  }
0xc4: {  	[dreg:$0x1] =	wrdreg $0xFFFFFFFF  }
0xc5: {  	_ =	task.clear_ibuf [dreg:s9], $0x2FFFF;
	_ =	strace $0x9FFFFFFF  }
0xc6: {  	(tm) =	ssettm $0x7FFFFFFF  }
0xc7: {  	_ =	shalt  }
tec
execute0_lowered:
.L_overlay_start_1:
0x0: {  	(tag) =	ssettag $0x1  }
0x1: {  	s1 =	rddreg [dreg:$0x0]  }
0x2: {  	s2 =	rddreg [dreg:$0x1]  }
0x3: {  	s0 =	rddreg [dreg:$0x2]  }
0x4: {  	s3 =	rddreg [dreg:$0x3]  }
0x5: {  	s5 =	simm.s32 $0x0;
	s4 =	srdreg.scid;
	s7 =	stileid.u32  }
0x6: {  	s16 =	simm.s32 $0x5;
	s17 =	simm.s32 $0x80;
	s20 =	simm.s32 $0x4100  }
0x7: {  	s21 =	simm.s32 $0xC100;
	s22 =	simm.s32 $0x1;
	s23 =	simm.s32 $0x10100  }
0x8: {  	s24 =	simm.s32 $0x2;
	s25 =	simm.s32 $0x14100;
	s26 =	simm.s32 $0x3  }
0x9: {  	s28 =	simm.s32 $0x4;
	s29 =	simm.s32 $0x0;
	[smem:$0x7FF] =	sst s5  }
0xa: {  	s4 =	sand.u32 $0x1, s4;
	s7 =	sshll.u32 s7, $0x13;
	s8 =	sadd.s32 $0x400, s0  }
0xb: {  	_ =	strace $0x80000047;
	s6 =	ssub.s32 $0x2, s4;
	s4 =	sshll.u32 s4, $0x12  }
.Ltmp0:
0xc: {  	[dreg:$0x5] =	wrdreg s8;
	s9 =	sshrl.u32 s6, $0x1;
	(pc) =	sbr.rel .LBB2_1-.Ltmp0, $4  }
0xd: {  	s8 =	sadd.s32 $0x600, s0;
	s7 =	sor.u32 s4, s7;
	s31 =	ssub.s32 s6, s9  }
0xe: {  	s4 =	sshrl.u32 s7, $0x3;
	s13 =	sor.u32 $0x8000, s7;
	s14 =	sor.u32 $0xC000, s7  }
0xf: {  	s9 =	sadd.s32 s1, s4;
	s10 =	sadd.s32 s2, s4;
	s4 =	sor.u32 $0x800, s4  }
0x10: {  	s15 =	smax.u32 s31, $0x1;
	s11 =	sadd.s32 s1, s4;
	s12 =	sadd.s32 s2, s4  }
.LBB2_8:
0x11: {  	s29 =	sadd.s32 $0x1, s29  }
0x12: {  	_ =	swait.ge [sflag:s26], $0x4000;
	p0 =	sne.s32 s29, s15  }
.Ltmp1:
0x13: {  	[sflag:s26] =	ssyncset.done $0x0;
	(pc) =	sbr.rel @!p0 .LBB2_9-.Ltmp1, $4  }
0x14: {  	[sflag:s26] =	ssyncadd.s32 $0xFFFFC000  }
0x15: {  	_ =	swait.ge [sflag:s28], $0x4000  }
0x16: {  	[sflag:s28] =	ssyncset.done $0x0  }
0x17: {  	[sflag:s28] =	ssyncadd.s32 $0xFFFFC000  }
.LBB2_1:
0x18: {  	s0 =	rddreg [dreg:$0x5]  }
0x19: {  	[tilespmem:s5], [sflag:$0x5] =	stream.linear.gather [hbm4b:s0+s5], $0x80, $0x38;
	[tilespmem:$0x18100] =	vst v63  }
0x1a: {  	_ =	swait.ge [sflag:s16], $0x80  }
0x1b: {  	[sflag:s16] =	ssyncset.done $0x0  }
0x1c: {  	[sflag:s16] =	ssyncadd.s32 $0xFFFFFF80  }
0x1d: {  	[tilespmem:s17], [sflag:$0x5] =	stream.linear.gather [hbm4b:s8+s5], $0x80, $0x38;
	[tilespmem:$0x18100] =	vst v63  }
0x1e: {  	_ =	swait.ge [sflag:s16], $0x80  }
0x1f: {  	[sflag:s16] =	ssyncset.done $0x0  }
0x20: {  	s19 =	simm.s32 $0x100;
	[sflag:s16] =	ssyncadd.s32 $0xFFFFFF80  }
0x21: {  	[tilespmem:s19], [sflag:$0x1] =	stream.linear.gather [hbm4b:s9+s5], $0x4000, $0x38;
	[tilespmem:$0x18100] =	vst v63  }
0x22: {  	s31 =	simm.s32 $0x8100  }
0x23: {  	[tilespmem:s31], [sflag:$0x1] =	stream.linear.gather [hbm4b:s10+s5], $0x4000, $0x38;
	[tilespmem:$0x18100] =	vst v63  }
0x24: {  	_ = 	snop  }
0x25: {  	[tilespmem:s20], [sflag:$0x2] =	stream.linear.gather [hbm4b:s11+s5], $0x4000, $0x38;
	[tilespmem:$0x18100] =	vst v63  }
0x26: {  	s30 =	simm.s32 $0x0  }
0x27: {  	[tilespmem:s21], [sflag:$0x2] =	stream.linear.gather [hbm4b:s12+s5], $0x4000, $0x38;
	[tilespmem:$0x18100] =	vst v63  }
.LBB2_2:
0x28: {  	_ =	swait.ge [sflag:s22], $0x4000  }
0x29: {  	[sflag:s22] =	ssyncset.done $0x0  }
0x2a: {  	[sflag:s22] =	ssyncadd.s32 $0xFFFFC000  }
0x2b: {  	_ =	swait.ge [sflag:s22], $0x4000  }
0x2c: {  	p0 =	seq.s32 s30, $0x0;
	[sflag:s22] =	ssyncset.done $0x0  }
0x2d: {  	s0 =	simm.s32 @!p0 $0x3;
	[sflag:s22] =	ssyncadd.s32 $0xFFFFC000  }
0x2e: {  	_ =	swait.ge @!p0 [sflag:s0], $0x4000  }
0x2f: {  	[sflag:s0] =	ssyncset.done @!p0 $0x0  }
0x30: {  	s19 =	simm.s32 $0x8140;
	[sflag:s0] =	ssyncadd.s32 @!p0 $0xFFFFC000  }
0x31: {  	v0 =	vld [tilespmem:s19+$0x30]  }
0x32: {  	v1 =	vld [tilespmem:s19+$0xFFFFFFD0]  }
0x33: {  	v2 =	vld [tilespmem:s19+$0xFFFFFFE0]  }
0x34: {  	v3 =	vld [tilespmem:s19+$0xFFFFFFF0]  }
0x35: {  	v4 =	vld [tilespmem:s19+$0x0]  }
0x36: {  	v6 =	vld [tilespmem:s19+$0x10]  }
0x37: {  	v11 =	vld [tilespmem:s19+$0x20]  }
0x38: {  	s0 =	simm.s32 $0x140;
	v5 =	vld [tilespmem:s19+$0xFFFFFFC0]  }
0x39: {  	v8 =	vld [tilespmem:s0+$0x30]  }
0x3a: {  	v18 =	vld [tilespmem:s0+$0xFFFFFFC0]  }
0x3b: {  	v19 =	vld [tilespmem:s0+$0xFFFFFFD0]  }
0x3c: {  	v20 =	vld [tilespmem:s0+$0xFFFFFFE0]  }
0x3d: {  	v21 =	vld [tilespmem:s0+$0xFFFFFFF0]  }
0x3e: {  	v22 =	vld [tilespmem:s0+$0x0]  }
0x3f: {  	v23 =	vld [tilespmem:s0+$0x10]  }
0x40: {  	v24 =	vld [tilespmem:s0+$0x20]  }
0x41: {  	v7 =	vld.idx.msk [tilespmem:v0+s5+$0x0], $0xffff  }
0x42: {  	v0 =	vld.idx.msk [tilespmem:v0+s17+$0x0], $0xffff  }
0x43: {  	v10 =	vld.idx.msk [tilespmem:v1+s5+$0x0], $0xffff  }
0x44: {  	v12 =	vld.idx.msk [tilespmem:v2+s5+$0x0], $0xffff  }
0x45: {  	v13 =	vld.idx.msk [tilespmem:v3+s5+$0x0], $0xffff  }
0x46: {  	v14 =	vld.idx.msk [tilespmem:v4+s5+$0x0], $0xffff  }
0x47: {  	v15 =	vld.idx.msk [tilespmem:v5+s5+$0x0], $0xffff  }
0x48: {  	v16 =	vld.idx.msk [tilespmem:v6+s5+$0x0], $0xffff  }
0x49: {  	v17 =	vld.idx.msk [tilespmem:v11+s5+$0x0], $0xffff  }
0x4a: {  	v25 =	vld.idx.msk [tilespmem:v5+s17+$0x0], $0xffff  }
0x4b: {  	v9 =	vld.idx.msk [tilespmem:v1+s17+$0x0], $0xffff  }
0x4c: {  	v1 =	vld.idx.msk [tilespmem:v2+s17+$0x0], $0xffff  }
0x4d: {  	v3 =	vld.idx.msk [tilespmem:v3+s17+$0x0], $0xffff;
	v5 =	vmul.f32 v8, v7  }
0x4e: {  	v11 =	vld.idx.msk [tilespmem:v11+s17+$0x0], $0xffff;
	v15 =	vmul.f32 v18, v15  }
0x4f: {  	v7 =	vmul.f32 v19, v10;
	v2 =	vmul.f32 v20, v12;
	v10 =	vld.idx.msk [tilespmem:v6+s17+$0x0], $0xffff;
	v0 =	vadd.f32 v5, v0  }
0x50: {  	s4 =	simm.s32 $0x10140;
	s31 =	sshll.u32 s30, $0xF;
	v8 =	vmul.f32 v21, v13;
	v6 =	vmul.f32 v23, v16;
	v5 =	vld.idx.msk [tilespmem:v4+s17+$0x0], $0xffff  }
0x51: {  	s6 =	simm.s32 $0x81C0;
	s18 =	sor.u32 s7, s31;
	s19 =	simm.s32 $0x0;
	v4 =	vmul.f32 v22, v14;
	v12 =	vadd.f32 v15, v25;
	[tilespmem:s4+$0x30] =	vst v0;
	v0 =	vmul.f32 v24, v17  }
.LBB2_3:
0x52: {  	v13 =	vld [tilespmem:s6+$0x30];
	s19 =	sadd.s32 $0x80, s19;
	v7 =	vadd.f32 v7, v9  }
0x53: {  	v1 =	vadd.f32 v2, v1;
	v9 =	vld [tilespmem:s6+$0xFFFFFFD0];
	p1 =	slt.u32 s19, $0x3F80;
	[tilespmem:s4+$0xFFFFFFC0] =	vst v12  }
0x54: {  	v2 =	vadd.f32 v8, v3;
	v12 =	vld [tilespmem:s6+$0xFFFFFFE0];
	[tilespmem:s4+$0xFFFFFFD0] =	vst v7  }
0x55: {  	v3 =	vld [tilespmem:s6+$0xFFFFFFF0];
	[tilespmem:s4+$0xFFFFFFE0] =	vst v1;
	v1 =	vadd.f32 v4, v5  }
0x56: {  	v5 =	vld [tilespmem:s6+$0x0];
	[tilespmem:s4+$0xFFFFFFF0] =	vst v2;
	v2 =	vadd.f32 v6, v10  }
0x57: {  	v0 =	vadd.f32 v0, v11;
	v10 =	vld [tilespmem:s6+$0x10];
	[tilespmem:s4+$0x0] =	vst v1  }
0x58: {  	v11 =	vld [tilespmem:s6+$0x20];
	[tilespmem:s4+$0x10] =	vst v2  }
0x59: {  	v1 =	vld [tilespmem:s6+$0xFFFFFFC0];
	[tilespmem:s4+$0x20] =	vst v0  }
0x5a: {  	s0 =	sadd.s32 $0x80, s0;
	v0 =	vld.idx.msk [tilespmem:v13+s5+$0x0], $0xffff  }
0x5b: {  	v2 =	vld [tilespmem:s0+$0x30]  }
0x5c: {  	v4 =	vld.idx.msk [tilespmem:v13+s17+$0x0], $0xffff  }
0x5d: {  	v6 =	vld.idx.msk [tilespmem:v9+s5+$0x0], $0xffff  }
0x5e: {  	v8 =	vld.idx.msk [tilespmem:v12+s5+$0x0], $0xffff  }
0x5f: {  	v13 =	vld.idx.msk [tilespmem:v3+s5+$0x0], $0xffff  }
0x60: {  	v14 =	vld.idx.msk [tilespmem:v5+s5+$0x0], $0xffff;
	v0 =	vmul.f32 v2, v0  }
0x61: {  	v2 =	vld.idx.msk [tilespmem:v1+s5+$0x0], $0xffff  }
0x62: {  	v15 =	vld.idx.msk [tilespmem:v10+s5+$0x0], $0xffff;
	v0 =	vadd.f32 v0, v4  }
0x63: {  	s4 =	sadd.s32 $0x80, s4;
	v16 =	vld.idx.msk [tilespmem:v11+s5+$0x0], $0xffff  }
0x64: {  	v4 =	vld [tilespmem:s0+$0xFFFFFFC0];
	[tilespmem:s4+$0x30] =	vst v0  }
0x65: {  	v0 =	vld [tilespmem:s0+$0xFFFFFFD0]  }
0x66: {  	v17 =	vld [tilespmem:s0+$0xFFFFFFE0]  }
0x67: {  	v18 =	vld [tilespmem:s0+$0xFFFFFFF0]  }
0x68: {  	v19 =	vld [tilespmem:s0+$0x0]  }
0x69: {  	v20 =	vmul.f32 v4, v2;
	v21 =	vld [tilespmem:s0+$0x10]  }
0x6a: {  	v7 =	vmul.f32 v0, v6;
	v0 =	vld [tilespmem:s0+$0x20]  }
0x6b: {  	v22 =	vld.idx.msk [tilespmem:v1+s17+$0x0], $0xffff;
	v2 =	vmul.f32 v17, v8  }
0x6c: {  	v9 =	vld.idx.msk [tilespmem:v9+s17+$0x0], $0xffff;
	v8 =	vmul.f32 v18, v13  }
.Ltmp2:
0x6d: {  	v1 =	vld.idx.msk [tilespmem:v12+s17+$0x0], $0xffff;
	v4 =	vmul.f32 v19, v14;
	(pc) =	sbr.rel @p1 .LBB2_3-.Ltmp2, $4  }
0x6e: {  	v3 =	vld.idx.msk [tilespmem:v3+s17+$0x0], $0xffff;
	v6 =	vmul.f32 v21, v15  }
0x6f: {  	v5 =	vld.idx.msk [tilespmem:v5+s17+$0x0], $0xffff;
	v0 =	vmul.f32 v0, v16  }
0x70: {  	v10 =	vld.idx.msk [tilespmem:v10+s17+$0x0], $0xffff  }
0x71: {  	s6 =	sadd.s32 $0x80, s6;
	v12 =	vadd.f32 v20, v22;
	v11 =	vld.idx.msk [tilespmem:v11+s17+$0x0], $0xffff  }
0x72: {  	v7 =	vadd.f32 v7, v9  }
0x73: {  	v1 =	vadd.f32 v2, v1;
	[tilespmem:s4+$0xFFFFFFC0] =	vst v12  }
0x74: {  	v2 =	vadd.f32 v8, v3;
	[tilespmem:s4+$0xFFFFFFD0] =	vst v7  }
0x75: {  	[tilespmem:s4+$0xFFFFFFE0] =	vst v1;
	v1 =	vadd.f32 v4, v5  }
0x76: {  	[tilespmem:s4+$0xFFFFFFF0] =	vst v2;
	v2 =	vadd.f32 v6, v10  }
0x77: {  	[tilespmem:s4+$0x0] =	vst v1;
	v0 =	vadd.f32 v0, v11  }
0x78: {  	s0 =	sshrl.u32 s18, $0x3;
	p1 =	seq.s32 s30, $0x7;
	[tilespmem:s4+$0x10] =	vst v2  }
0x79: {  	s18 =	sadd.s32 s3, s0;
	[tilespmem:s4+$0x20] =	vst v0;
	s4 =	sadd.s32 @!p1 s31, s13  }
0x7a: {  	[hbm4b:s18+s5] =	stream.linear.scatter [tilespmem:s23], [sflag:$0x3], $0x4000, $0x38;
	[tilespmem:$0x18100] =	vst v63  }
0x7b: {  	s4 =	sshrl.u32 @!p1 s4, $0x3  }
0x7c: {  	s19 =	simm.s32 @!p1 $0x100;
	s18 =	simm.s32 @!p1 $0x0;
	s6 =	sadd.s32 @!p1 s1, s4  }
0x7d: {  	[tilespmem:s19], [sflag:$0x1] =	stream.linear.gather @!p1 [hbm4b:s6+s18], $0x4000, $0x38;
	[tilespmem:$0x18100] =	vst v63  }
0x7e: {  	s4 =	sadd.s32 @!p1 s2, s4;
	s6 =	simm.s32 @!p1 $0x8100  }
0x7f: {  	[tilespmem:s6], [sflag:$0x1] =	stream.linear.gather @!p1 [hbm4b:s4+s18], $0x4000, $0x38;
	[tilespmem:$0x18100] =	vst v63  }
0x80: {  	_ =	swait.ge [sflag:s24], $0x4000  }
0x81: {  	[sflag:s24] =	ssyncset.done $0x0  }
0x82: {  	[sflag:s24] =	ssyncadd.s32 $0xFFFFC000  }
0x83: {  	_ =	swait.ge [sflag:s24], $0x4000  }
0x84: {  	[sflag:s24] =	ssyncset.done $0x0  }
0x85: {  	s4 =	simm.s32 @!p0 $0x4;
	[sflag:s24] =	ssyncadd.s32 $0xFFFFC000  }
0x86: {  	_ =	swait.ge @!p0 [sflag:s4], $0x4000  }
0x87: {  	[sflag:s4] =	ssyncset.done @!p0 $0x0  }
0x88: {  	s19 =	simm.s32 $0xC140;
	[sflag:s4] =	ssyncadd.s32 @!p0 $0xFFFFC000  }
0x89: {  	v0 =	vld [tilespmem:s19+$0x30]  }
0x8a: {  	v1 =	vld [tilespmem:s19+$0xFFFFFFD0]  }
0x8b: {  	v2 =	vld [tilespmem:s19+$0xFFFFFFE0]  }
0x8c: {  	v4 =	vld [tilespmem:s19+$0xFFFFFFF0]  }
0x8d: {  	v6 =	vld [tilespmem:s19+$0x0]  }
0x8e: {  	v9 =	vld [tilespmem:s19+$0x10]  }
0x8f: {  	v11 =	vld [tilespmem:s19+$0x20]  }
0x90: {  	s4 =	simm.s32 $0x4140;
	v3 =	vld [tilespmem:s19+$0xFFFFFFC0]  }
0x91: {  	v7 =	vld [tilespmem:s4+$0x30]  }
0x92: {  	v18 =	vld [tilespmem:s4+$0xFFFFFFC0]  }
0x93: {  	v19 =	vld [tilespmem:s4+$0xFFFFFFD0]  }
0x94: {  	v20 =	vld [tilespmem:s4+$0xFFFFFFE0]  }
0x95: {  	v21 =	vld [tilespmem:s4+$0xFFFFFFF0]  }
0x96: {  	v22 =	vld [tilespmem:s4+$0x0]  }
0x97: {  	v23 =	vld [tilespmem:s4+$0x10]  }
0x98: {  	v24 =	vld [tilespmem:s4+$0x20]  }
0x99: {  	v5 =	vld.idx.msk [tilespmem:v0+s5+$0x0], $0xffff  }
0x9a: {  	v0 =	vld.idx.msk [tilespmem:v0+s17+$0x0], $0xffff  }
0x9b: {  	v8 =	vld.idx.msk [tilespmem:v1+s5+$0x0], $0xffff  }
0x9c: {  	v12 =	vld.idx.msk [tilespmem:v2+s5+$0x0], $0xffff  }
0x9d: {  	v13 =	vld.idx.msk [tilespmem:v4+s5+$0x0], $0xffff  }
0x9e: {  	v14 =	vld.idx.msk [tilespmem:v6+s5+$0x0], $0xffff  }
0x9f: {  	v15 =	vld.idx.msk [tilespmem:v3+s5+$0x0], $0xffff  }
0xa0: {  	v16 =	vld.idx.msk [tilespmem:v9+s5+$0x0], $0xffff  }
0xa1: {  	v17 =	vld.idx.msk [tilespmem:v11+s5+$0x0], $0xffff  }
0xa2: {  	v25 =	vld.idx.msk [tilespmem:v3+s17+$0x0], $0xffff  }
0xa3: {  	v10 =	vld.idx.msk [tilespmem:v1+s17+$0x0], $0xffff  }
0xa4: {  	v3 =	vld.idx.msk [tilespmem:v2+s17+$0x0], $0xffff  }
0xa5: {  	v9 =	vld.idx.msk [tilespmem:v9+s17+$0x0], $0xffff;
	v5 =	vmul.f32 v7, v5  }
0xa6: {  	v15 =	vmul.f32 v18, v15;
	v7 =	vld.idx.msk [tilespmem:v6+s17+$0x0], $0xffff  }
0xa7: {  	v8 =	vmul.f32 v19, v8;
	v6 =	vmul.f32 v21, v13;
	v0 =	vadd.f32 v5, v0;
	v5 =	vld.idx.msk [tilespmem:v4+s17+$0x0], $0xffff  }
0xa8: {  	s18 =	simm.s32 $0x14140;
	v11 =	vld.idx.msk [tilespmem:v11+s17+$0x0], $0xffff;
	v1 =	vmul.f32 v22, v14;
	v2 =	vmul.f32 v23, v16  }
0xa9: {  	s6 =	simm.s32 $0xC1C0;
	s19 =	simm.s32 $0x0;
	v4 =	vmul.f32 v20, v12;
	v12 =	vadd.f32 v15, v25;
	[tilespmem:s18+$0x30] =	vst v0;
	v0 =	vmul.f32 v24, v17  }
.LBB2_5:
0xaa: {  	v13 =	vld [tilespmem:s6+$0x30];
	s19 =	sadd.s32 $0x80, s19;
	v8 =	vadd.f32 v8, v10  }
0xab: {  	v3 =	vadd.f32 v4, v3;
	v10 =	vld [tilespmem:s6+$0xFFFFFFD0];
	p0 =	slt.u32 s19, $0x3F80;
	[tilespmem:s18+$0xFFFFFFC0] =	vst v12  }
0xac: {  	v4 =	vadd.f32 v6, v5;
	v12 =	vld [tilespmem:s6+$0xFFFFFFE0];
	[tilespmem:s18+$0xFFFFFFD0] =	vst v8  }
0xad: {  	v1 =	vadd.f32 v1, v7;
	v5 =	vld [tilespmem:s6+$0xFFFFFFF0];
	[tilespmem:s18+$0xFFFFFFE0] =	vst v3  }
0xae: {  	v2 =	vadd.f32 v2, v9;
	v7 =	vld [tilespmem:s6+$0x0];
	[tilespmem:s18+$0xFFFFFFF0] =	vst v4  }
0xaf: {  	v0 =	vadd.f32 v0, v11;
	v9 =	vld [tilespmem:s6+$0x10];
	[tilespmem:s18+$0x0] =	vst v1  }
0xb0: {  	v11 =	vld [tilespmem:s6+$0x20];
	[tilespmem:s18+$0x10] =	vst v2  }
0xb1: {  	v1 =	vld [tilespmem:s6+$0xFFFFFFC0];
	[tilespmem:s18+$0x20] =	vst v0  }
0xb2: {  	s4 =	sadd.s32 $0x80, s4;
	v0 =	vld.idx.msk [tilespmem:v13+s5+$0x0], $0xffff  }
0xb3: {  	v2 =	vld [tilespmem:s4+$0x30]  }
0xb4: {  	v3 =	vld.idx.msk [tilespmem:v13+s17+$0x0], $0xffff  }
0xb5: {  	v4 =	vld.idx.msk [tilespmem:v10+s5+$0x0], $0xffff  }
0xb6: {  	v6 =	vld.idx.msk [tilespmem:v12+s5+$0x0], $0xffff  }
0xb7: {  	v13 =	vld.idx.msk [tilespmem:v5+s5+$0x0], $0xffff  }
0xb8: {  	v14 =	vld.idx.msk [tilespmem:v7+s5+$0x0], $0xffff;
	v0 =	vmul.f32 v2, v0  }
0xb9: {  	v2 =	vld.idx.msk [tilespmem:v1+s5+$0x0], $0xffff  }
0xba: {  	v15 =	vld.idx.msk [tilespmem:v9+s5+$0x0], $0xffff;
	v0 =	vadd.f32 v0, v3  }
0xbb: {  	s18 =	sadd.s32 $0x80, s18;
	v16 =	vld.idx.msk [tilespmem:v11+s5+$0x0], $0xffff  }
0xbc: {  	v3 =	vld [tilespmem:s4+$0xFFFFFFC0];
	[tilespmem:s18+$0x30] =	vst v0  }
0xbd: {  	v0 =	vld [tilespmem:s4+$0xFFFFFFD0]  }
0xbe: {  	v17 =	vld [tilespmem:s4+$0xFFFFFFE0]  }
0xbf: {  	v18 =	vld [tilespmem:s4+$0xFFFFFFF0]  }
0xc0: {  	v19 =	vld [tilespmem:s4+$0x0]  }
0xc1: {  	v20 =	vmul.f32 v3, v2;
	v2 =	vld [tilespmem:s4+$0x10]  }
0xc2: {  	v8 =	vmul.f32 v0, v4;
	v0 =	vld [tilespmem:s4+$0x20]  }
0xc3: {  	v21 =	vld.idx.msk [tilespmem:v1+s17+$0x0], $0xffff;
	v4 =	vmul.f32 v17, v6  }
0xc4: {  	v10 =	vld.idx.msk [tilespmem:v10+s17+$0x0], $0xffff;
	v6 =	vmul.f32 v18, v13  }
.Ltmp3:
0xc5: {  	v3 =	vld.idx.msk [tilespmem:v12+s17+$0x0], $0xffff;
	v1 =	vmul.f32 v19, v14;
	(pc) =	sbr.rel @p0 .LBB2_5-.Ltmp3, $4  }
0xc6: {  	v5 =	vld.idx.msk [tilespmem:v5+s17+$0x0], $0xffff;
	v2 =	vmul.f32 v2, v15  }
0xc7: {  	v7 =	vld.idx.msk [tilespmem:v7+s17+$0x0], $0xffff;
	v0 =	vmul.f32 v0, v16  }
0xc8: {  	v9 =	vld.idx.msk [tilespmem:v9+s17+$0x0], $0xffff  }
0xc9: {  	s6 =	sadd.s32 $0x80, s6;
	v12 =	vadd.f32 v20, v21;
	v11 =	vld.idx.msk [tilespmem:v11+s17+$0x0], $0xffff  }
0xca: {  	v8 =	vadd.f32 v8, v10  }
0xcb: {  	v3 =	vadd.f32 v4, v3;
	[tilespmem:s18+$0xFFFFFFC0] =	vst v12  }
0xcc: {  	v63 =	vadd.f32 v6, v5;
	[tilespmem:s18+$0xFFFFFFD0] =	vst v8  }
0xcd: {  	[tilespmem:s18+$0xFFFFFFE0] =	vst v3;
	v1 =	vadd.f32 v1, v7  }
.Ltmp4:
0xce: {  	[tilespmem:s18+$0xFFFFFFF0] =	vst v63;
	v2 =	vadd.f32 v2, v9;
	(pc) =	sbr.rel @p1 .LBB2_8-.Ltmp4, $4  }
0xcf: {  	[tilespmem:s18+$0x0] =	vst v1;
	v0 =	vadd.f32 v0, v11  }
0xd0: {  	s0 =	sadd.s32 s0, s3;
	[tilespmem:s18+$0x10] =	vst v2  }
0xd1: {  	s0 =	sadd.s32 $0x800, s0;
	[tilespmem:s18+$0x20] =	vst v0  }
0xd2: {  	[hbm4b:s0+s5] =	stream.linear.scatter [tilespmem:s25], [sflag:$0x4], $0x4000, $0x38;
	[tilespmem:$0x18100] =	vst v63  }
0xd3: {  	s0 =	sadd.s32 s31, s14  }
.Ltmp5:
0xd4: {  	s0 =	sshrl.u32 s0, $0x3;
	(pc) =	sbr.rel .LBB2_2-.Ltmp5, $4  }
0xd5: {  	s4 =	sadd.s32 s1, s0  }
0xd6: {  	[tilespmem:s20], [sflag:$0x2] =	stream.linear.gather [hbm4b:s4+s5], $0x4000, $0x38;
	[tilespmem:$0x18100] =	vst v63  }
0xd7: {  	s30 =	sadd.s32 $0x1, s30;
	s0 =	sadd.s32 s2, s0  }
0xd8: {  	[tilespmem:s21], [sflag:$0x2] =	stream.linear.gather [hbm4b:s0+s5], $0x4000, $0x38;
	[tilespmem:$0x18100] =	vst v63  }
.LBB2_9:
0xd9: {  	_ =	sfence.sel $0x180000  }
0xda: {  	[bflag:$0x0] =	sbarrier.arrive $0xFFFF  }
0xdb: {  	_ =	strace $0x90000047  }
0xdc: {  	s0 =	stileid.u32;
	[bflag:$0x2] =	sbarrier.arrive $0xFFFF  }
0xdd: {  	p0 =	sne.s32 s0, $0x0;
	s0 =	rddreg [dreg:$0x4]  }
0xde: {  	s0 =	sadd.s32 @!p0 $0x100000, s0  }
0xdf: {  	[sflag:s0] =	ssyncadd.tile.s32 @!p0 $0x1;
	_ =	shalt  }
.Lfunc_end2:
_tile_overlayer_lowered:
.L_overlay_start_2:
0xe0: {  	(tag) =	ssettag $0x2  }
0xe1: {  	s0 =	rddreg [dreg:$0x0];
	s2 =	stileid.u32  }
0xe2: {  	s1 =	rddreg [dreg:$0x1];
	p0 =	sne.s32 s2, $0x0  }
0xe3: {  	s3 =	rddreg [dreg:$0x2];
	[bflag:$0x3] =	sbarrier.arrive $0xFFFF;
	s2 =	simm.s32 @!p0 $0x1C05  }
0xe4: {  	[timem:s3], [sflag:s2] =	dma.local @!p0 [hbm:s0], s1  }
0xe5: {  	s0 =	simm.s32 @!p0 $0x5  }
0xe6: {  	_ =	swait.ge @!p0 [sflag:s0], s1  }
0xe7: {  	s1 =	ssub.s32 @!p0 $0x0, s1;
	[sflag:s0] =	ssyncset.done @!p0 $0x0  }
0xe8: {  	[sflag:s0] =	ssyncadd.s32 @!p0 s1  }
0xe9: {  	[bflag:$0x3] =	sbarrier.arrive $0xFFFF  }
0xea: {  	_ =	shalt  }

</sc_bundles>
